<compile_context>
chip_gen: v7x
topology: tpu7x:2x2x1
jax: 0.10.2.dev20260603
libtpu: 0.0.44.dev20260713+nightly
codegen_flags: <defaults>
</compile_context>

<pallas_src>
import functools

import jax
import jax.numpy as jnp
from jax import lax
from jax.experimental import pallas as pl
from jax.experimental.pallas import tpu as pltpu
from jax.experimental.pallas import tpu_sc as plsc

B = 16384
EMB = 32
NW = 32
RPW = B // NW


@functools.cache
def _build_sc_gather():
    mesh = plsc.VectorSubcoreMesh(core_axis_name="c", subcore_axis_name="s")

    @functools.partial(
        pl.kernel,
        mesh=mesh,
        compiler_params=pltpu.CompilerParams(needs_layout_passes=False),
        out_type=(
            jax.ShapeDtypeStruct((B, EMB), jnp.float32),
            jax.ShapeDtypeStruct((B, EMB), jnp.float32),
        ),
        scratch_types=[
            pltpu.VMEM((RPW + 16,), jnp.int32),
            pltpu.VMEM((RPW + 16,), jnp.int32),
            pltpu.VMEM((RPW // 2, EMB), jnp.float32),
            pltpu.VMEM((RPW // 2, EMB), jnp.float32),
            pltpu.SemaphoreType.DMA,
        ],
    )
    def sc_gather(uid_hbm, iid_hbm, utab_hbm, itab_hbm, uout_hbm, iout_hbm,
                  uidx_v, iidx_v, urows_v, irows_v, sem):
        ch = RPW // 2
        wid = lax.axis_index("s") * 2 + lax.axis_index("c")
        base = wid * RPW
        pltpu.sync_copy(uid_hbm.at[pl.ds(base, RPW)],
                        uidx_v.at[pl.ds(0, RPW)])
        pltpu.sync_copy(iid_hbm.at[pl.ds(base, RPW)],
                        iidx_v.at[pl.ds(0, RPW)])

        for r in range(2):
            def body(i, carry, r=r):
                j = i - r * ch
                uix = uidx_v[pl.ds(i, 16)][0]
                iix = iidx_v[pl.ds(i, 16)][0]
                pltpu.make_async_copy(
                    utab_hbm.at[pl.ds(uix, 1)],
                    urows_v.at[pl.ds(j, 1)], sem).start()
                pltpu.make_async_copy(
                    itab_hbm.at[pl.ds(iix, 1)],
                    irows_v.at[pl.ds(j, 1)], sem).start()
                return carry

            lax.fori_loop(r * ch, (r + 1) * ch, body, 0)
            pltpu.make_async_copy(
                utab_hbm.at[pl.ds(0, ch)], urows_v, sem).wait()
            pltpu.make_async_copy(
                itab_hbm.at[pl.ds(0, ch)], irows_v, sem).wait()
            pltpu.sync_copy(urows_v, uout_hbm.at[pl.ds(base + r * ch, ch)])
            pltpu.sync_copy(irows_v, iout_hbm.at[pl.ds(base + r * ch, ch)])

    return sc_gather


def _mlp_body(u_ref, v_ref, w0a, w0b, b0, w1, b1, w2, b2, w3, b3, wout, bout,
              o_ref):
    dot = functools.partial(jnp.dot, preferred_element_type=jnp.float32)
    x = jnp.maximum(dot(u_ref[...], w0a[...]) + dot(v_ref[...], w0b[...])
                    + b0[...], 0.0)
    x = jnp.maximum(dot(x, w1[...]) + b1[...], 0.0)
    x = jnp.maximum(dot(x, w2[...]) + b2[...], 0.0)
    x = jnp.maximum(dot(x, w3[...]) + b3[...], 0.0)
    o_ref[...] = jax.nn.sigmoid(dot(x, wout[...]) + bout[...])


def _mlp(u, v, w0a, w0b, b0, w1, b1, w2, b2, w3, b3, wout, bout):
    blk = 2048
    grid = (B // blk,)

    def full(shape):
        return pl.BlockSpec(shape, lambda i: (0, 0))

    return pl.pallas_call(
        _mlp_body,
        grid=grid,
        in_specs=[
            pl.BlockSpec((blk, EMB), lambda i: (i, 0)),
            pl.BlockSpec((blk, EMB), lambda i: (i, 0)),
            full((EMB, 64)), full((EMB, 64)), full((1, 64)),
            full((64, 32)), full((1, 32)),
            full((32, 16)), full((1, 16)),
            full((16, 8)), full((1, 8)),
            full((8, 1)), full((1, 1)),
        ],
        out_specs=pl.BlockSpec((blk, 1), lambda i: (i, 0)),
        out_shape=jax.ShapeDtypeStruct((B, 1), jnp.float32),
    )(u, v, w0a, w0b, b0, w1, b1, w2, b2, w3, b3, wout, bout)


def kernel(user_id, item_id, user_table, item_table, W0, b0, W1, b1, W2, b2,
           W3, b3, Wout, bout):
    uemb, iemb = _build_sc_gather()(
        user_id.astype(jnp.int32), item_id.astype(jnp.int32),
        user_table, item_table)
    return _mlp(uemb, iemb,
                W0[:EMB], W0[EMB:], b0.reshape(1, -1),
                W1, b1.reshape(1, -1), W2, b2.reshape(1, -1),
                W3, b3.reshape(1, -1), Wout, bout.reshape(1, -1))

# --- scband reference (transcript-rebuilt; emitter-appended) ---
"""Pipeline reference for scband-ncf-6236292514621 (READ-ONLY COPY).

The authoritative reference and input builder live on the scoring server;
editing this copy changes nothing except your own understanding.
"""

import jax, jax.numpy as jnp
import numpy as np

NUM_USERS = 1000000
NUM_ITEMS = 100000
EMB = 32
B = 16384
HIDDEN = [64, 32, 16, 8]


def setup_inputs(seed: int = 0) -> dict:
    key = jax.random.key(seed)
    ks = jax.random.split(key, 16)
    user_id = jax.random.randint(ks[0], (B,), 0, NUM_USERS, dtype=jnp.int32).astype(jnp.int64) if False else jax.random.randint(ks[0], (B,), 0, NUM_USERS)
    item_id = jax.random.randint(ks[1], (B,), 0, NUM_ITEMS)
    user_table = jax.random.normal(ks[2], (NUM_USERS, EMB), dtype=jnp.float32) * 0.02
    item_table = jax.random.normal(ks[3], (NUM_ITEMS, EMB), dtype=jnp.float32) * 0.02
    dims = [2 * EMB] + HIDDEN
    out = {
        'user_id': user_id,
        'item_id': item_id,
        'user_table': user_table,
        'item_table': item_table,
    }
    for i in range(len(HIDDEN)):
        out[f'W{i}'] = jax.random.normal(ks[4 + i], (dims[i], dims[i + 1]), dtype=jnp.float32) * (1.0 / np.sqrt(dims[i]))
        out[f'b{i}'] = jnp.zeros((dims[i + 1],), dtype=jnp.float32)
    out['Wout'] = jax.random.normal(ks[12], (HIDDEN[-1], 1), dtype=jnp.float32) * (1.0 / np.sqrt(HIDDEN[-1]))
    out['bout'] = jnp.zeros((1,), dtype=jnp.float32)
    return out


def reference(user_id, item_id, user_table, item_table, W0, b0, W1, b1, W2, b2, W3, b3, Wout, bout):
    user_emb = jnp.take(user_table, user_id, axis=0)
    item_emb = jnp.take(item_table, item_id, axis=0)
    x = jnp.concatenate([user_emb, item_emb], axis=-1)
    for W, b in ((W0, b0), (W1, b1), (W2, b2), (W3, b3)):
        x = jnp.maximum(x @ W + b, 0.0)
    x = x @ Wout + bout
    return jax.nn.sigmoid(x)

if __name__ == "__main__":
    import jax
    _d = setup_inputs()
    print(jax.jit(kernel)(*tuple(_d.values())))

</pallas_src>

<mosaic_0001>
#map = affine_map<(d0, d1) -> (0)>
#map1 = affine_map<(d0, d1) -> (0, 0)>
module attributes {stable_mosaic.version = 14 : i64} {
  func.func @sc_gather(%arg0: i32, %arg1: i32, %arg2: memref<16384xi32, #tpu.memory_space<hbm>>, %arg3: memref<16384xi32, #tpu.memory_space<hbm>>, %arg4: memref<1000000x32xf32, #tpu.memory_space<hbm>>, %arg5: memref<100000x32xf32, #tpu.memory_space<hbm>>, %arg6: memref<16384x32xf32, #tpu.memory_space<hbm>>, %arg7: memref<16384x32xf32, #tpu.memory_space<hbm>>, %arg8: memref<528xi32, #tpu.memory_space<vmem>>, %arg9: memref<528xi32, #tpu.memory_space<vmem>>, %arg10: memref<256x32xf32, #tpu.memory_space<vmem>>, %arg11: memref<256x32xf32, #tpu.memory_space<vmem>>, %arg12: memref<!tpu.dma_semaphore, #tpu.memory_space<semaphore_mem>>) attributes {dimension_semantics = [#tpu.dimension_semantics<core_parallel>, #tpu.dimension_semantics<subcore_parallel>], iteration_bounds = array<i64: 2, 16>, scalar_prefetch = 0 : i64, scratch_operands = 5 : i64, tpu.core_type = #tpu.core_type<sc_vector_subcore>, window_params = [{transform_indices = #map}, {transform_indices = #map}, {transform_indices = #map1}, {transform_indices = #map1}, {transform_indices = #map1}, {transform_indices = #map1}]} {
    %mul3A = arith.constant 2 : i32
    %mul3A_0 = arith.muli %arg1, %mul3A : i32
    %add3A = arith.addi %mul3A_0, %arg0 : i32
    %mul3A_1 = arith.constant 512 : i32
    %mul3A_2 = arith.muli %add3A, %mul3A_1 : i32
    "tpu.region"() ({
      %run_scoped3A = tpu.sem_alloc : memref<!tpu.dma_semaphore, #tpu.memory_space<semaphore_mem>>
      %dma_start3A = arith.constant 0 : i32
      %dma_start3A_45 = tpu.memref_slice %arg8[%dma_start3A] : memref<528xi32, #tpu.memory_space<vmem>> -> memref<512xi32, #tpu.memory_space<vmem>>
      %dma_start3A_46 = tpu.memref_slice %arg2[%mul3A_2] : memref<16384xi32, #tpu.memory_space<hbm>> -> memref<512xi32, #tpu.memory_space<hbm>>
      %dma_start3A_47 = arith.constant 0 : i32
      %dma_start3A_48 = tpu.memref_slice %arg8[%dma_start3A_47] : memref<528xi32, #tpu.memory_space<vmem>> -> memref<512xi32, #tpu.memory_space<vmem>>
      %dma_start3A_49 = tpu.memref_slice %arg2[%mul3A_2] : memref<16384xi32, #tpu.memory_space<hbm>> -> memref<512xi32, #tpu.memory_space<hbm>>
      tpu.enqueue_dma source(%dma_start3A_49 : memref<512xi32, #tpu.memory_space<hbm>>) target(%dma_start3A_48 : memref<512xi32, #tpu.memory_space<vmem>>) target_semaphore(%run_scoped3A : memref<!tpu.dma_semaphore, #tpu.memory_space<semaphore_mem>>)
      %dma_wait3A_50 = arith.constant 0 : i32
      %dma_wait3A_51 = tpu.memref_slice %arg8[%dma_wait3A_50] : memref<528xi32, #tpu.memory_space<vmem>> -> memref<512xi32, #tpu.memory_space<vmem>>
      %dma_wait3A_52 = tpu.memref_slice %arg2[%mul3A_2] : memref<16384xi32, #tpu.memory_space<hbm>> -> memref<512xi32, #tpu.memory_space<hbm>>
      %dma_wait3A_53 = arith.constant 0 : i32
      %dma_wait3A_54 = tpu.memref_slice %arg8[%dma_wait3A_53] : memref<528xi32, #tpu.memory_space<vmem>> -> memref<512xi32, #tpu.memory_space<vmem>>
      %dma_wait3A_55 = tpu.memref_slice %arg2[%mul3A_2] : memref<16384xi32, #tpu.memory_space<hbm>> -> memref<512xi32, #tpu.memory_space<hbm>>
      tpu.wait_dma2 semaphore(%run_scoped3A : memref<!tpu.dma_semaphore, #tpu.memory_space<semaphore_mem>>) src(%dma_wait3A_55 : memref<512xi32, #tpu.memory_space<hbm>>) dst(%dma_wait3A_54 : memref<512xi32, #tpu.memory_space<vmem>>)
      tpu.yield
    }) : () -> ()
    "tpu.region"() ({
      %run_scoped3A = tpu.sem_alloc : memref<!tpu.dma_semaphore, #tpu.memory_space<semaphore_mem>>
      %dma_start3A = arith.constant 0 : i32
      %dma_start3A_45 = tpu.memref_slice %arg9[%dma_start3A] : memref<528xi32, #tpu.memory_space<vmem>> -> memref<512xi32, #tpu.memory_space<vmem>>
      %dma_start3A_46 = tpu.memref_slice %arg3[%mul3A_2] : memref<16384xi32, #tpu.memory_space<hbm>> -> memref<512xi32, #tpu.memory_space<hbm>>
      %dma_start3A_47 = arith.constant 0 : i32
      %dma_start3A_48 = tpu.memref_slice %arg9[%dma_start3A_47] : memref<528xi32, #tpu.memory_space<vmem>> -> memref<512xi32, #tpu.memory_space<vmem>>
      %dma_start3A_49 = tpu.memref_slice %arg3[%mul3A_2] : memref<16384xi32, #tpu.memory_space<hbm>> -> memref<512xi32, #tpu.memory_space<hbm>>
      tpu.enqueue_dma source(%dma_start3A_49 : memref<512xi32, #tpu.memory_space<hbm>>) target(%dma_start3A_48 : memref<512xi32, #tpu.memory_space<vmem>>) target_semaphore(%run_scoped3A : memref<!tpu.dma_semaphore, #tpu.memory_space<semaphore_mem>>)
      %dma_wait3A_50 = arith.constant 0 : i32
      %dma_wait3A_51 = tpu.memref_slice %arg9[%dma_wait3A_50] : memref<528xi32, #tpu.memory_space<vmem>> -> memref<512xi32, #tpu.memory_space<vmem>>
      %dma_wait3A_52 = tpu.memref_slice %arg3[%mul3A_2] : memref<16384xi32, #tpu.memory_space<hbm>> -> memref<512xi32, #tpu.memory_space<hbm>>
      %dma_wait3A_53 = arith.constant 0 : i32
      %dma_wait3A_54 = tpu.memref_slice %arg9[%dma_wait3A_53] : memref<528xi32, #tpu.memory_space<vmem>> -> memref<512xi32, #tpu.memory_space<vmem>>
      %dma_wait3A_55 = tpu.memref_slice %arg3[%mul3A_2] : memref<16384xi32, #tpu.memory_space<hbm>> -> memref<512xi32, #tpu.memory_space<hbm>>
      tpu.wait_dma2 semaphore(%run_scoped3A : memref<!tpu.dma_semaphore, #tpu.memory_space<semaphore_mem>>) src(%dma_wait3A_55 : memref<512xi32, #tpu.memory_space<hbm>>) dst(%dma_wait3A_54 : memref<512xi32, #tpu.memory_space<vmem>>)
      tpu.yield
    }) : () -> ()
    %scan3A = arith.constant 0 : i32
    %scan3A_3 = arith.constant 0 : i32
    %scan3A_4 = arith.constant 256 : i32
    %scan3A_5 = arith.addi %scan3A_3, %scan3A_4 : i32
    %scan3A_6 = arith.constant 1 : i32
    scf.for %scan3A_45 = %scan3A_3 to %scan3A_5 step %scan3A_6  : i32 {
      %sub3A = arith.constant 0 : i32
      %sub3A_46 = arith.subi %scan3A_45, %sub3A : i32
      %get3A = arith.index_cast %scan3A_45 : i32 to index
      %get3A_47 = tpu.vector_load %arg8[%get3A] {strides = array<i32>} : memref<528xi32, #tpu.memory_space<vmem>>, vector<16xi32>,
      %slice3A = vector.extract_strided_slice %get3A_47 {offsets = [0], sizes = [1], strides = [1]} : vector<16xi32> to vector<1xi32>
      %squeeze3A = vector.extract %slice3A[0] : i32 from vector<1xi32>
      %get3A_48 = arith.index_cast %scan3A_45 : i32 to index
      %get3A_49 = tpu.vector_load %arg9[%get3A_48] {strides = array<i32>} : memref<528xi32, #tpu.memory_space<vmem>>, vector<16xi32>,
      %slice3A_50 = vector.extract_strided_slice %get3A_49 {offsets = [0], sizes = [1], strides = [1]} : vector<16xi32> to vector<1xi32>
      %squeeze3A_51 = vector.extract %slice3A_50[0] : i32 from vector<1xi32>
      %dma_start3A = arith.constant 0 : i32
      %dma_start3A_52 = tpu.memref_slice %arg10[%sub3A_46, %dma_start3A] : memref<256x32xf32, #tpu.memory_space<vmem>> -> memref<1x32xf32, #tpu.memory_space<vmem>>
      %dma_start3A_53 = arith.constant 0 : i32
      %dma_start3A_54 = tpu.memref_slice %arg4[%squeeze3A, %dma_start3A_53] : memref<1000000x32xf32, #tpu.memory_space<hbm>> -> memref<1x32xf32, #tpu.memory_space<hbm>>
      %dma_start3A_55 = arith.constant 0 : i32
      %dma_start3A_56 = tpu.memref_slice %arg10[%sub3A_46, %dma_start3A_55] : memref<256x32xf32, #tpu.memory_space<vmem>> -> memref<1x32xf32, #tpu.memory_space<vmem>>
      %dma_start3A_57 = arith.constant 0 : i32
      %dma_start3A_58 = tpu.memref_slice %arg4[%squeeze3A, %dma_start3A_57] : memref<1000000x32xf32, #tpu.memory_space<hbm>> -> memref<1x32xf32, #tpu.memory_space<hbm>>
      tpu.enqueue_dma source(%dma_start3A_58 : memref<1x32xf32, #tpu.memory_space<hbm>>) target(%dma_start3A_56 : memref<1x32xf32, #tpu.memory_space<vmem>>) target_semaphore(%arg12 : memref<!tpu.dma_semaphore, #tpu.memory_space<semaphore_mem>>)
      %dma_start3A_59 = arith.constant 0 : i32
      %dma_start3A_60 = tpu.memref_slice %arg11[%sub3A_46, %dma_start3A_59] : memref<256x32xf32, #tpu.memory_space<vmem>> -> memref<1x32xf32, #tpu.memory_space<vmem>>
      %dma_start3A_61 = arith.constant 0 : i32
      %dma_start3A_62 = tpu.memref_slice %arg5[%squeeze3A_51, %dma_start3A_61] : memref<100000x32xf32, #tpu.memory_space<hbm>> -> memref<1x32xf32, #tpu.memory_space<hbm>>
      %dma_start3A_63 = arith.constant 0 : i32
      %dma_start3A_64 = tpu.memref_slice %arg11[%sub3A_46, %dma_start3A_63] : memref<256x32xf32, #tpu.memory_space<vmem>> -> memref<1x32xf32, #tpu.memory_space<vmem>>
      %dma_start3A_65 = arith.constant 0 : i32
      %dma_start3A_66 = tpu.memref_slice %arg5[%squeeze3A_51, %dma_start3A_65] : memref<100000x32xf32, #tpu.memory_space<hbm>> -> memref<1x32xf32, #tpu.memory_space<hbm>>
      tpu.enqueue_dma source(%dma_start3A_66 : memref<1x32xf32, #tpu.memory_space<hbm>>) target(%dma_start3A_64 : memref<1x32xf32, #tpu.memory_space<vmem>>) target_semaphore(%arg12 : memref<!tpu.dma_semaphore, #tpu.memory_space<semaphore_mem>>)
    }
    %scan3A_7 = arith.constant 256 : i32
    %dma_wait3A = arith.constant 0 : i32
    %dma_wait3A_8 = arith.constant 0 : i32
    %dma_wait3A_9 = tpu.memref_slice %arg4[%dma_wait3A, %dma_wait3A_8] : memref<1000000x32xf32, #tpu.memory_space<hbm>> -> memref<256x32xf32, #tpu.memory_space<hbm>>
    %dma_wait3A_10 = arith.constant 0 : i32
    %dma_wait3A_11 = arith.constant 0 : i32
    %dma_wait3A_12 = tpu.memref_slice %arg4[%dma_wait3A_10, %dma_wait3A_11] : memref<1000000x32xf32, #tpu.memory_space<hbm>> -> memref<256x32xf32, #tpu.memory_space<hbm>>
    tpu.wait_dma2 semaphore(%arg12 : memref<!tpu.dma_semaphore, #tpu.memory_space<semaphore_mem>>) src(%dma_wait3A_12 : memref<256x32xf32, #tpu.memory_space<hbm>>) dst(%arg10 : memref<256x32xf32, #tpu.memory_space<vmem>>)
    %dma_wait3A_13 = arith.constant 0 : i32
    %dma_wait3A_14 = arith.constant 0 : i32
    %dma_wait3A_15 = tpu.memref_slice %arg5[%dma_wait3A_13, %dma_wait3A_14] : memref<100000x32xf32, #tpu.memory_space<hbm>> -> memref<256x32xf32, #tpu.memory_space<hbm>>
    %dma_wait3A_16 = arith.constant 0 : i32
    %dma_wait3A_17 = arith.constant 0 : i32
    %dma_wait3A_18 = tpu.memref_slice %arg5[%dma_wait3A_16, %dma_wait3A_17] : memref<100000x32xf32, #tpu.memory_space<hbm>> -> memref<256x32xf32, #tpu.memory_space<hbm>>
    tpu.wait_dma2 semaphore(%arg12 : memref<!tpu.dma_semaphore, #tpu.memory_space<semaphore_mem>>) src(%dma_wait3A_18 : memref<256x32xf32, #tpu.memory_space<hbm>>) dst(%arg11 : memref<256x32xf32, #tpu.memory_space<vmem>>)
    %add3A_19 = arith.constant 0 : i32
    %add3A_20 = arith.addi %mul3A_2, %add3A_19 : i32
    "tpu.region"() ({
      %run_scoped3A = tpu.sem_alloc : memref<!tpu.dma_semaphore, #tpu.memory_space<semaphore_mem>>
      %dma_start3A = arith.constant 0 : i32
      %dma_start3A_45 = tpu.memref_slice %arg6[%add3A_20, %dma_start3A] : memref<16384x32xf32, #tpu.memory_space<hbm>> -> memref<256x32xf32, #tpu.memory_space<hbm>>
      %dma_start3A_46 = arith.constant 0 : i32
      %dma_start3A_47 = tpu.memref_slice %arg6[%add3A_20, %dma_start3A_46] : memref<16384x32xf32, #tpu.memory_space<hbm>> -> memref<256x32xf32, #tpu.memory_space<hbm>>
      tpu.enqueue_dma source(%arg10 : memref<256x32xf32, #tpu.memory_space<vmem>>) target(%dma_start3A_47 : memref<256x32xf32, #tpu.memory_space<hbm>>) target_semaphore(%run_scoped3A : memref<!tpu.dma_semaphore, #tpu.memory_space<semaphore_mem>>)
      %dma_wait3A_48 = arith.constant 0 : i32
      %dma_wait3A_49 = tpu.memref_slice %arg6[%add3A_20, %dma_wait3A_48] : memref<16384x32xf32, #tpu.memory_space<hbm>> -> memref<256x32xf32, #tpu.memory_space<hbm>>
      %dma_wait3A_50 = arith.constant 0 : i32
      %dma_wait3A_51 = tpu.memref_slice %arg6[%add3A_20, %dma_wait3A_50] : memref<16384x32xf32, #tpu.memory_space<hbm>> -> memref<256x32xf32, #tpu.memory_space<hbm>>
      tpu.wait_dma2 semaphore(%run_scoped3A : memref<!tpu.dma_semaphore, #tpu.memory_space<semaphore_mem>>) src(%arg10 : memref<256x32xf32, #tpu.memory_space<vmem>>) dst(%dma_wait3A_51 : memref<256x32xf32, #tpu.memory_space<hbm>>)
      tpu.yield
    }) : () -> ()
    %add3A_21 = arith.constant 0 : i32
    %add3A_22 = arith.addi %mul3A_2, %add3A_21 : i32
    "tpu.region"() ({
      %run_scoped3A = tpu.sem_alloc : memref<!tpu.dma_semaphore, #tpu.memory_space<semaphore_mem>>
      %dma_start3A = arith.constant 0 : i32
      %dma_start3A_45 = tpu.memref_slice %arg7[%add3A_22, %dma_start3A] : memref<16384x32xf32, #tpu.memory_space<hbm>> -> memref<256x32xf32, #tpu.memory_space<hbm>>
      %dma_start3A_46 = arith.constant 0 : i32
      %dma_start3A_47 = tpu.memref_slice %arg7[%add3A_22, %dma_start3A_46] : memref<16384x32xf32, #tpu.memory_space<hbm>> -> memref<256x32xf32, #tpu.memory_space<hbm>>
      tpu.enqueue_dma source(%arg11 : memref<256x32xf32, #tpu.memory_space<vmem>>) target(%dma_start3A_47 : memref<256x32xf32, #tpu.memory_space<hbm>>) target_semaphore(%run_scoped3A : memref<!tpu.dma_semaphore, #tpu.memory_space<semaphore_mem>>)
      %dma_wait3A_48 = arith.constant 0 : i32
      %dma_wait3A_49 = tpu.memref_slice %arg7[%add3A_22, %dma_wait3A_48] : memref<16384x32xf32, #tpu.memory_space<hbm>> -> memref<256x32xf32, #tpu.memory_space<hbm>>
      %dma_wait3A_50 = arith.constant 0 : i32
      %dma_wait3A_51 = tpu.memref_slice %arg7[%add3A_22, %dma_wait3A_50] : memref<16384x32xf32, #tpu.memory_space<hbm>> -> memref<256x32xf32, #tpu.memory_space<hbm>>
      tpu.wait_dma2 semaphore(%run_scoped3A : memref<!tpu.dma_semaphore, #tpu.memory_space<semaphore_mem>>) src(%arg11 : memref<256x32xf32, #tpu.memory_space<vmem>>) dst(%dma_wait3A_51 : memref<256x32xf32, #tpu.memory_space<hbm>>)
      tpu.yield
    }) : () -> ()
    %scan3A_23 = arith.constant 0 : i32
    %scan3A_24 = arith.constant 256 : i32
    %scan3A_25 = arith.constant 256 : i32
    %scan3A_26 = arith.addi %scan3A_24, %scan3A_25 : i32
    %scan3A_27 = arith.constant 1 : i32
    scf.for %scan3A_45 = %scan3A_24 to %scan3A_26 step %scan3A_27  : i32 {
      %sub3A = arith.constant 256 : i32
      %sub3A_46 = arith.subi %scan3A_45, %sub3A : i32
      %get3A = arith.index_cast %scan3A_45 : i32 to index
      %get3A_47 = tpu.vector_load %arg8[%get3A] {strides = array<i32>} : memref<528xi32, #tpu.memory_space<vmem>>, vector<16xi32>,
      %slice3A = vector.extract_strided_slice %get3A_47 {offsets = [0], sizes = [1], strides = [1]} : vector<16xi32> to vector<1xi32>
      %squeeze3A = vector.extract %slice3A[0] : i32 from vector<1xi32>
      %get3A_48 = arith.index_cast %scan3A_45 : i32 to index
      %get3A_49 = tpu.vector_load %arg9[%get3A_48] {strides = array<i32>} : memref<528xi32, #tpu.memory_space<vmem>>, vector<16xi32>,
      %slice3A_50 = vector.extract_strided_slice %get3A_49 {offsets = [0], sizes = [1], strides = [1]} : vector<16xi32> to vector<1xi32>
      %squeeze3A_51 = vector.extract %slice3A_50[0] : i32 from vector<1xi32>
      %dma_start3A = arith.constant 0 : i32
      %dma_start3A_52 = tpu.memref_slice %arg10[%sub3A_46, %dma_start3A] : memref<256x32xf32, #tpu.memory_space<vmem>> -> memref<1x32xf32, #tpu.memory_space<vmem>>
      %dma_start3A_53 = arith.constant 0 : i32
      %dma_start3A_54 = tpu.memref_slice %arg4[%squeeze3A, %dma_start3A_53] : memref<1000000x32xf32, #tpu.memory_space<hbm>> -> memref<1x32xf32, #tpu.memory_space<hbm>>
      %dma_start3A_55 = arith.constant 0 : i32
      %dma_start3A_56 = tpu.memref_slice %arg10[%sub3A_46, %dma_start3A_55] : memref<256x32xf32, #tpu.memory_space<vmem>> -> memref<1x32xf32, #tpu.memory_space<vmem>>
      %dma_start3A_57 = arith.constant 0 : i32
      %dma_start3A_58 = tpu.memref_slice %arg4[%squeeze3A, %dma_start3A_57] : memref<1000000x32xf32, #tpu.memory_space<hbm>> -> memref<1x32xf32, #tpu.memory_space<hbm>>
      tpu.enqueue_dma source(%dma_start3A_58 : memref<1x32xf32, #tpu.memory_space<hbm>>) target(%dma_start3A_56 : memref<1x32xf32, #tpu.memory_space<vmem>>) target_semaphore(%arg12 : memref<!tpu.dma_semaphore, #tpu.memory_space<semaphore_mem>>)
      %dma_start3A_59 = arith.constant 0 : i32
      %dma_start3A_60 = tpu.memref_slice %arg11[%sub3A_46, %dma_start3A_59] : memref<256x32xf32, #tpu.memory_space<vmem>> -> memref<1x32xf32, #tpu.memory_space<vmem>>
      %dma_start3A_61 = arith.constant 0 : i32
      %dma_start3A_62 = tpu.memref_slice %arg5[%squeeze3A_51, %dma_start3A_61] : memref<100000x32xf32, #tpu.memory_space<hbm>> -> memref<1x32xf32, #tpu.memory_space<hbm>>
      %dma_start3A_63 = arith.constant 0 : i32
      %dma_start3A_64 = tpu.memref_slice %arg11[%sub3A_46, %dma_start3A_63] : memref<256x32xf32, #tpu.memory_space<vmem>> -> memref<1x32xf32, #tpu.memory_space<vmem>>
      %dma_start3A_65 = arith.constant 0 : i32
      %dma_start3A_66 = tpu.memref_slice %arg5[%squeeze3A_51, %dma_start3A_65] : memref<100000x32xf32, #tpu.memory_space<hbm>> -> memref<1x32xf32, #tpu.memory_space<hbm>>
      tpu.enqueue_dma source(%dma_start3A_66 : memref<1x32xf32, #tpu.memory_space<hbm>>) target(%dma_start3A_64 : memref<1x32xf32, #tpu.memory_space<vmem>>) target_semaphore(%arg12 : memref<!tpu.dma_semaphore, #tpu.memory_space<semaphore_mem>>)
    }
    %scan3A_28 = arith.constant 256 : i32
    %dma_wait3A_29 = arith.constant 0 : i32
    %dma_wait3A_30 = arith.constant 0 : i32
    %dma_wait3A_31 = tpu.memref_slice %arg4[%dma_wait3A_29, %dma_wait3A_30] : memref<1000000x32xf32, #tpu.memory_space<hbm>> -> memref<256x32xf32, #tpu.memory_space<hbm>>
    %dma_wait3A_32 = arith.constant 0 : i32
    %dma_wait3A_33 = arith.constant 0 : i32
    %dma_wait3A_34 = tpu.memref_slice %arg4[%dma_wait3A_32, %dma_wait3A_33] : memref<1000000x32xf32, #tpu.memory_space<hbm>> -> memref<256x32xf32, #tpu.memory_space<hbm>>
    tpu.wait_dma2 semaphore(%arg12 : memref<!tpu.dma_semaphore, #tpu.memory_space<semaphore_mem>>) src(%dma_wait3A_34 : memref<256x32xf32, #tpu.memory_space<hbm>>) dst(%arg10 : memref<256x32xf32, #tpu.memory_space<vmem>>)
    %dma_wait3A_35 = arith.constant 0 : i32
    %dma_wait3A_36 = arith.constant 0 : i32
    %dma_wait3A_37 = tpu.memref_slice %arg5[%dma_wait3A_35, %dma_wait3A_36] : memref<100000x32xf32, #tpu.memory_space<hbm>> -> memref<256x32xf32, #tpu.memory_space<hbm>>
    %dma_wait3A_38 = arith.constant 0 : i32
    %dma_wait3A_39 = arith.constant 0 : i32
    %dma_wait3A_40 = tpu.memref_slice %arg5[%dma_wait3A_38, %dma_wait3A_39] : memref<100000x32xf32, #tpu.memory_space<hbm>> -> memref<256x32xf32, #tpu.memory_space<hbm>>
    tpu.wait_dma2 semaphore(%arg12 : memref<!tpu.dma_semaphore, #tpu.memory_space<semaphore_mem>>) src(%dma_wait3A_40 : memref<256x32xf32, #tpu.memory_space<hbm>>) dst(%arg11 : memref<256x32xf32, #tpu.memory_space<vmem>>)
    %add3A_41 = arith.constant 256 : i32
    %add3A_42 = arith.addi %mul3A_2, %add3A_41 : i32
    "tpu.region"() ({
      %run_scoped3A = tpu.sem_alloc : memref<!tpu.dma_semaphore, #tpu.memory_space<semaphore_mem>>
      %dma_start3A = arith.constant 0 : i32
      %dma_start3A_45 = tpu.memref_slice %arg6[%add3A_42, %dma_start3A] : memref<16384x32xf32, #tpu.memory_space<hbm>> -> memref<256x32xf32, #tpu.memory_space<hbm>>
      %dma_start3A_46 = arith.constant 0 : i32
      %dma_start3A_47 = tpu.memref_slice %arg6[%add3A_42, %dma_start3A_46] : memref<16384x32xf32, #tpu.memory_space<hbm>> -> memref<256x32xf32, #tpu.memory_space<hbm>>
      tpu.enqueue_dma source(%arg10 : memref<256x32xf32, #tpu.memory_space<vmem>>) target(%dma_start3A_47 : memref<256x32xf32, #tpu.memory_space<hbm>>) target_semaphore(%run_scoped3A : memref<!tpu.dma_semaphore, #tpu.memory_space<semaphore_mem>>)
      %dma_wait3A_48 = arith.constant 0 : i32
      %dma_wait3A_49 = tpu.memref_slice %arg6[%add3A_42, %dma_wait3A_48] : memref<16384x32xf32, #tpu.memory_space<hbm>> -> memref<256x32xf32, #tpu.memory_space<hbm>>
      %dma_wait3A_50 = arith.constant 0 : i32
      %dma_wait3A_51 = tpu.memref_slice %arg6[%add3A_42, %dma_wait3A_50] : memref<16384x32xf32, #tpu.memory_space<hbm>> -> memref<256x32xf32, #tpu.memory_space<hbm>>
      tpu.wait_dma2 semaphore(%run_scoped3A : memref<!tpu.dma_semaphore, #tpu.memory_space<semaphore_mem>>) src(%arg10 : memref<256x32xf32, #tpu.memory_space<vmem>>) dst(%dma_wait3A_51 : memref<256x32xf32, #tpu.memory_space<hbm>>)
      tpu.yield
    }) : () -> ()
    %add3A_43 = arith.constant 256 : i32
    %add3A_44 = arith.addi %mul3A_2, %add3A_43 : i32
    "tpu.region"() ({
      %run_scoped3A = tpu.sem_alloc : memref<!tpu.dma_semaphore, #tpu.memory_space<semaphore_mem>>
      %dma_start3A = arith.constant 0 : i32
      %dma_start3A_45 = tpu.memref_slice %arg7[%add3A_44, %dma_start3A] : memref<16384x32xf32, #tpu.memory_space<hbm>> -> memref<256x32xf32, #tpu.memory_space<hbm>>
      %dma_start3A_46 = arith.constant 0 : i32
      %dma_start3A_47 = tpu.memref_slice %arg7[%add3A_44, %dma_start3A_46] : memref<16384x32xf32, #tpu.memory_space<hbm>> -> memref<256x32xf32, #tpu.memory_space<hbm>>
      tpu.enqueue_dma source(%arg11 : memref<256x32xf32, #tpu.memory_space<vmem>>) target(%dma_start3A_47 : memref<256x32xf32, #tpu.memory_space<hbm>>) target_semaphore(%run_scoped3A : memref<!tpu.dma_semaphore, #tpu.memory_space<semaphore_mem>>)
      %dma_wait3A_48 = arith.constant 0 : i32
      %dma_wait3A_49 = tpu.memref_slice %arg7[%add3A_44, %dma_wait3A_48] : memref<16384x32xf32, #tpu.memory_space<hbm>> -> memref<256x32xf32, #tpu.memory_space<hbm>>
      %dma_wait3A_50 = arith.constant 0 : i32
      %dma_wait3A_51 = tpu.memref_slice %arg7[%add3A_44, %dma_wait3A_50] : memref<16384x32xf32, #tpu.memory_space<hbm>> -> memref<256x32xf32, #tpu.memory_space<hbm>>
      tpu.wait_dma2 semaphore(%run_scoped3A : memref<!tpu.dma_semaphore, #tpu.memory_space<semaphore_mem>>) src(%arg11 : memref<256x32xf32, #tpu.memory_space<vmem>>) dst(%dma_wait3A_51 : memref<256x32xf32, #tpu.memory_space<hbm>>)
      tpu.yield
    }) : () -> ()
    return
  }
}

module attributes {stable_mosaic.version = 14 : i64} {
  func.func @_mlp_body(%arg0: i32, %arg1: memref<2048x32xf32, #tpu.memory_space<vmem>>, %arg2: memref<2048x32xf32, #tpu.memory_space<vmem>>, %arg3: memref<32x64xf32, #tpu.memory_space<vmem>>, %arg4: memref<32x64xf32, #tpu.memory_space<vmem>>, %arg5: memref<1x64xf32, #tpu.memory_space<vmem>>, %arg6: memref<64x32xf32, #tpu.memory_space<vmem>>, %arg7: memref<1x32xf32, #tpu.memory_space<vmem>>, %arg8: memref<32x16xf32, #tpu.memory_space<vmem>>, %arg9: memref<1x16xf32, #tpu.memory_space<vmem>>, %arg10: memref<16x8xf32, #tpu.memory_space<vmem>>, %arg11: memref<1x8xf32, #tpu.memory_space<vmem>>, %arg12: memref<8x1xf32, #tpu.memory_space<vmem>>, %arg13: memref<1x1xf32, #tpu.memory_space<vmem>>, %arg14: memref<2048x1xf32, #tpu.memory_space<vmem>>) attributes {dimension_semantics = [#tpu.dimension_semantics<arbitrary>], iteration_bounds = array<i64: 8>, scalar_prefetch = 0 : i64, scratch_operands = 0 : i64, tpu.core_type = #tpu.core_type<tc>, window_params = [{transform_indices = @transform_0, window_bounds = array<i64: 2048, 32>}, {transform_indices = @transform_1, window_bounds = array<i64: 2048, 32>}, {pipeline_mode = #tpu.pipeline_mode<synchronous>, transform_indices = @transform_2, window_bounds = array<i64: 32, 64>}, {pipeline_mode = #tpu.pipeline_mode<synchronous>, transform_indices = @transform_3, window_bounds = array<i64: 32, 64>}, {pipeline_mode = #tpu.pipeline_mode<synchronous>, transform_indices = @transform_4, window_bounds = array<i64: 1, 64>}, {pipeline_mode = #tpu.pipeline_mode<synchronous>, transform_indices = @transform_5, window_bounds = array<i64: 64, 32>}, {pipeline_mode = #tpu.pipeline_mode<synchronous>, transform_indices = @transform_6, window_bounds = array<i64: 1, 32>}, {pipeline_mode = #tpu.pipeline_mode<synchronous>, transform_indices = @transform_7, window_bounds = array<i64: 32, 16>}, {pipeline_mode = #tpu.pipeline_mode<synchronous>, transform_indices = @transform_8, window_bounds = array<i64: 1, 16>}, {pipeline_mode = #tpu.pipeline_mode<synchronous>, transform_indices = @transform_9, window_bounds = array<i64: 16, 8>}, {pipeline_mode = #tpu.pipeline_mode<synchronous>, transform_indices = @transform_10, window_bounds = array<i64: 1, 8>}, {pipeline_mode = #tpu.pipeline_mode<synchronous>, transform_indices = @transform_11, window_bounds = array<i64: 8, 1>}, {pipeline_mode = #tpu.pipeline_mode<synchronous>, transform_indices = @transform_12, window_bounds = array<i64: 1, 1>}, {transform_indices = @transform_13, window_bounds = array<i64: 2048, 1>}]} {
    %get3A = arith.constant 0 : index
    %get3A_0 = arith.constant 0 : index
    %get3A_1 = vector.load %arg1[%get3A, %get3A_0] : memref<2048x32xf32, #tpu.memory_space<vmem>>, vector<2048x32xf32>
    %get3A_2 = arith.constant 0 : index
    %get3A_3 = arith.constant 0 : index
    %get3A_4 = vector.load %arg3[%get3A_2, %get3A_3] : memref<32x64xf32, #tpu.memory_space<vmem>>, vector<32x64xf32>
    %dot_general3A = arith.constant dense<0.000000e+00> : vector<2048x64xf32>
    %dot_general3A_5 = tpu.matmul %get3A_1, %get3A_4, %dot_general3A {dimension_numbers = #tpu.dot_dimension_numbers<[1], [0], [0], [1], [0, 0, 1, 1], [], []>, transpose_lhs_hint = false} : vector<2048x32xf32>, vector<32x64xf32>, vector<2048x64xf32> -> vector<2048x64xf32>
    %get3A_6 = arith.constant 0 : index
    %get3A_7 = arith.constant 0 : index
    %get3A_8 = vector.load %arg2[%get3A_6, %get3A_7] : memref<2048x32xf32, #tpu.memory_space<vmem>>, vector<2048x32xf32>
    %get3A_9 = arith.constant 0 : index
    %get3A_10 = arith.constant 0 : index
    %get3A_11 = vector.load %arg4[%get3A_9, %get3A_10] : memref<32x64xf32, #tpu.memory_space<vmem>>, vector<32x64xf32>
    %dot_general3A_12 = arith.constant dense<0.000000e+00> : vector<2048x64xf32>
    %dot_general3A_13 = tpu.matmul %get3A_8, %get3A_11, %dot_general3A_12 {dimension_numbers = #tpu.dot_dimension_numbers<[1], [0], [0], [1], [0, 0, 1, 1], [], []>, transpose_lhs_hint = false} : vector<2048x32xf32>, vector<32x64xf32>, vector<2048x64xf32> -> vector<2048x64xf32>
    %add3A = arith.addf %dot_general3A_5, %dot_general3A_13 : vector<2048x64xf32>
    %get3A_14 = arith.constant 0 : index
    %get3A_15 = arith.constant 0 : index
    %get3A_16 = vector.load %arg5[%get3A_14, %get3A_15] : memref<1x64xf32, #tpu.memory_space<vmem>>, vector<1x64xf32>
    %add3A_17 = vector.broadcast %get3A_16 : vector<1x64xf32> to vector<2048x64xf32>
    %add3A_18 = arith.addf %add3A, %add3A_17 : vector<2048x64xf32>
    %max3A = arith.constant 0.000000e+00 : f32
    %max3A_19 = vector.broadcast %max3A : f32 to vector<2048x64xf32>
    %max3A_20 = arith.maximumf %add3A_18, %max3A_19 : vector<2048x64xf32>
    %get3A_21 = arith.constant 0 : index
    %get3A_22 = arith.constant 0 : index
    %get3A_23 = vector.load %arg6[%get3A_21, %get3A_22] : memref<64x32xf32, #tpu.memory_space<vmem>>, vector<64x32xf32>
    %dot_general3A_24 = arith.constant dense<0.000000e+00> : vector<2048x32xf32>
    %dot_general3A_25 = tpu.matmul %max3A_20, %get3A_23, %dot_general3A_24 {dimension_numbers = #tpu.dot_dimension_numbers<[1], [0], [0], [1], [0, 0, 1, 1], [], []>, transpose_lhs_hint = false} : vector<2048x64xf32>, vector<64x32xf32>, vector<2048x32xf32> -> vector<2048x32xf32>
    %get3A_26 = arith.constant 0 : index
    %get3A_27 = arith.constant 0 : index
    %get3A_28 = vector.load %arg7[%get3A_26, %get3A_27] : memref<1x32xf32, #tpu.memory_space<vmem>>, vector<1x32xf32>
    %add3A_29 = vector.broadcast %get3A_28 : vector<1x32xf32> to vector<2048x32xf32>
    %add3A_30 = arith.addf %dot_general3A_25, %add3A_29 : vector<2048x32xf32>
    %max3A_31 = arith.constant 0.000000e+00 : f32
    %max3A_32 = vector.broadcast %max3A_31 : f32 to vector<2048x32xf32>
    %max3A_33 = arith.maximumf %add3A_30, %max3A_32 : vector<2048x32xf32>
    %get3A_34 = arith.constant 0 : index
    %get3A_35 = arith.constant 0 : index
    %get3A_36 = vector.load %arg8[%get3A_34, %get3A_35] : memref<32x16xf32, #tpu.memory_space<vmem>>, vector<32x16xf32>
    %dot_general3A_37 = arith.constant dense<0.000000e+00> : vector<2048x16xf32>
    %dot_general3A_38 = tpu.matmul %max3A_33, %get3A_36, %dot_general3A_37 {dimension_numbers = #tpu.dot_dimension_numbers<[1], [0], [0], [1], [0, 0, 1, 1], [], []>, transpose_lhs_hint = false} : vector<2048x32xf32>, vector<32x16xf32>, vector<2048x16xf32> -> vector<2048x16xf32>
    %get3A_39 = arith.constant 0 : index
    %get3A_40 = arith.constant 0 : index
    %get3A_41 = vector.load %arg9[%get3A_39, %get3A_40] : memref<1x16xf32, #tpu.memory_space<vmem>>, vector<1x16xf32>
    %add3A_42 = vector.broadcast %get3A_41 : vector<1x16xf32> to vector<2048x16xf32>
    %add3A_43 = arith.addf %dot_general3A_38, %add3A_42 : vector<2048x16xf32>
    %max3A_44 = arith.constant 0.000000e+00 : f32
    %max3A_45 = vector.broadcast %max3A_44 : f32 to vector<2048x16xf32>
    %max3A_46 = arith.maximumf %add3A_43, %max3A_45 : vector<2048x16xf32>
    %get3A_47 = arith.constant 0 : index
    %get3A_48 = arith.constant 0 : index
    %get3A_49 = vector.load %arg10[%get3A_47, %get3A_48] : memref<16x8xf32, #tpu.memory_space<vmem>>, vector<16x8xf32>
    %dot_general3A_50 = arith.constant dense<0.000000e+00> : vector<2048x8xf32>
    %dot_general3A_51 = tpu.matmul %max3A_46, %get3A_49, %dot_general3A_50 {dimension_numbers = #tpu.dot_dimension_numbers<[1], [0], [0], [1], [0, 0, 1, 1], [], []>, transpose_lhs_hint = false} : vector<2048x16xf32>, vector<16x8xf32>, vector<2048x8xf32> -> vector<2048x8xf32>
    %get3A_52 = arith.constant 0 : index
    %get3A_53 = arith.constant 0 : index
    %get3A_54 = vector.load %arg11[%get3A_52, %get3A_53] : memref<1x8xf32, #tpu.memory_space<vmem>>, vector<1x8xf32>
    %add3A_55 = vector.broadcast %get3A_54 : vector<1x8xf32> to vector<2048x8xf32>
    %add3A_56 = arith.addf %dot_general3A_51, %add3A_55 : vector<2048x8xf32>
    %max3A_57 = arith.constant 0.000000e+00 : f32
    %max3A_58 = vector.broadcast %max3A_57 : f32 to vector<2048x8xf32>
    %max3A_59 = arith.maximumf %add3A_56, %max3A_58 : vector<2048x8xf32>
    %get3A_60 = arith.constant 0 : index
    %get3A_61 = arith.constant 0 : index
    %get3A_62 = vector.load %arg12[%get3A_60, %get3A_61] : memref<8x1xf32, #tpu.memory_space<vmem>>, vector<8x1xf32>
    %dot_general3A_63 = arith.constant dense<0.000000e+00> : vector<2048x1xf32>
    %dot_general3A_64 = tpu.matmul %max3A_59, %get3A_62, %dot_general3A_63 {dimension_numbers = #tpu.dot_dimension_numbers<[1], [0], [0], [1], [0, 0, 1, 1], [], []>, transpose_lhs_hint = false} : vector<2048x8xf32>, vector<8x1xf32>, vector<2048x1xf32> -> vector<2048x1xf32>
    %get3A_65 = arith.constant 0 : index
    %get3A_66 = arith.constant 0 : index
    %get3A_67 = vector.load %arg13[%get3A_65, %get3A_66] : memref<1x1xf32, #tpu.memory_space<vmem>>, vector<1x1xf32>
    %add3A_68 = vector.broadcast %get3A_67 : vector<1x1xf32> to vector<2048x1xf32>
    %add3A_69 = arith.addf %dot_general3A_64, %add3A_68 : vector<2048x1xf32>
    %logistic3A = arith.negf %add3A_69 : vector<2048x1xf32>
    %logistic3A_70 = math.exp %logistic3A : vector<2048x1xf32>
    %logistic3A_71 = arith.constant 1.000000e+00 : f32
    %logistic3A_72 = vector.broadcast %logistic3A_71 : f32 to vector<2048x1xf32>
    %logistic3A_73 = arith.addf %logistic3A_72, %logistic3A_70 : vector<2048x1xf32>
    %logistic3A_74 = arith.divf %logistic3A_72, %logistic3A_73 : vector<2048x1xf32>
    %swap3A = arith.constant 0 : index
    %swap3A_75 = arith.constant 0 : index
    %swap3A_76 = vector.load %arg14[%swap3A, %swap3A_75] : memref<2048x1xf32, #tpu.memory_space<vmem>>, vector<2048x1xf32>
    tpu.vector_store %arg14[%swap3A, %swap3A_75], %logistic3A_74 {strides = array<i32>} : memref<2048x1xf32, #tpu.memory_space<vmem>>, vector<2048x1xf32>,
    return
  }
  func.func @transform_0(%arg0: i32) -> (i32, i32) {
    %c0_i32 = arith.constant 0 : i32
    %c0_i32_0 = arith.constant 0 : i32
    return %arg0, %c0_i32 : i32, i32
  }
  func.func @transform_1(%arg0: i32) -> (i32, i32) {
    %c0_i32 = arith.constant 0 : i32
    %c0_i32_0 = arith.constant 0 : i32
    return %arg0, %c0_i32 : i32, i32
  }
  func.func @transform_2(%arg0: i32) -> (i32, i32) {
    %c0_i32 = arith.constant 0 : i32
    %c0_i32_0 = arith.constant 0 : i32
    %c0_i32_1 = arith.constant 0 : i32
    return %c0_i32, %c0_i32_0 : i32, i32
  }
  func.func @transform_3(%arg0: i32) -> (i32, i32) {
    %c0_i32 = arith.constant 0 : i32
    %c0_i32_0 = arith.constant 0 : i32
    %c0_i32_1 = arith.constant 0 : i32
    return %c0_i32, %c0_i32_0 : i32, i32
  }
  func.func @transform_4(%arg0: i32) -> (i32, i32) {
    %c0_i32 = arith.constant 0 : i32
    %c0_i32_0 = arith.constant 0 : i32
    %c0_i32_1 = arith.constant 0 : i32
    return %c0_i32, %c0_i32_0 : i32, i32
  }
  func.func @transform_5(%arg0: i32) -> (i32, i32) {
    %c0_i32 = arith.constant 0 : i32
    %c0_i32_0 = arith.constant 0 : i32
    %c0_i32_1 = arith.constant 0 : i32
    return %c0_i32, %c0_i32_0 : i32, i32
  }
  func.func @transform_6(%arg0: i32) -> (i32, i32) {
    %c0_i32 = arith.constant 0 : i32
    %c0_i32_0 = arith.constant 0 : i32
    %c0_i32_1 = arith.constant 0 : i32
    return %c0_i32, %c0_i32_0 : i32, i32
  }
  func.func @transform_7(%arg0: i32) -> (i32, i32) {
    %c0_i32 = arith.constant 0 : i32
    %c0_i32_0 = arith.constant 0 : i32
    %c0_i32_1 = arith.constant 0 : i32
    return %c0_i32, %c0_i32_0 : i32, i32
  }
  func.func @transform_8(%arg0: i32) -> (i32, i32) {
    %c0_i32 = arith.constant 0 : i32
    %c0_i32_0 = arith.constant 0 : i32
    %c0_i32_1 = arith.constant 0 : i32
    return %c0_i32, %c0_i32_0 : i32, i32
  }
  func.func @transform_9(%arg0: i32) -> (i32, i32) {
    %c0_i32 = arith.constant 0 : i32
    %c0_i32_0 = arith.constant 0 : i32
    %c0_i32_1 = arith.constant 0 : i32
    return %c0_i32, %c0_i32_0 : i32, i32
  }
  func.func @transform_10(%arg0: i32) -> (i32, i32) {
    %c0_i32 = arith.constant 0 : i32
    %c0_i32_0 = arith.constant 0 : i32
    %c0_i32_1 = arith.constant 0 : i32
    return %c0_i32, %c0_i32_0 : i32, i32
  }
  func.func @transform_11(%arg0: i32) -> (i32, i32) {
    %c0_i32 = arith.constant 0 : i32
    %c0_i32_0 = arith.constant 0 : i32
    %c0_i32_1 = arith.constant 0 : i32
    return %c0_i32, %c0_i32_0 : i32, i32
  }
  func.func @transform_12(%arg0: i32) -> (i32, i32) {
    %c0_i32 = arith.constant 0 : i32
    %c0_i32_0 = arith.constant 0 : i32
    %c0_i32_1 = arith.constant 0 : i32
    return %c0_i32, %c0_i32_0 : i32, i32
  }
  func.func @transform_13(%arg0: i32) -> (i32, i32) {
    %c0_i32 = arith.constant 0 : i32
    %c0_i32_0 = arith.constant 0 : i32
    return %arg0, %c0_i32 : i32, i32
  }
}

</mosaic_0001>

<sc_bundles>
// kernel: kernel.4.cloned.1.call-start
scs
__scs_entry_jumppad:
0x0: {  	(pc) =	sbr.rel $0x88, $3  }
0x1: {  	(tag) =	ssettag $0x0;
	lr =	simm.s32 $0x1  }
0x2: {  	[smem:$0x3F93] =	sst lr;
	_ =	strace $0xD0000000  }
0x3: {  	_ = 	snop  }
0x4: {  	_ = 	snop  }
0x5: {  	_ = 	snop  }
0x6: {  	_ = 	snop  }
0x7: {  	_ = 	snop  }
__scs_overlays_trampoline_lowered:
0x8: {  	[smem:$0x3FA2] =	sst s0  }
0x9: {  	[smem:$0x3FA3] =	sst s1  }
0xa: {  	[smem:$0x3FA4] =	sst s2  }
0xb: {  	[smem:$0x3FA5] =	sst s3  }
0xc: {  	[smem:$0x3FA6] =	sst s4  }
0xd: {  	[smem:$0x3FA7] =	sst s5  }
0xe: {  	[smem:$0x3FA8] =	sst s6  }
0xf: {  	[smem:$0x3FA9] =	sst s7  }
0x10: {  	[smem:$0x3FAA] =	sst s8  }
0x11: {  	[smem:$0x3FAB] =	sst s9;
	s0 =	simm.s32 @!p0 $0x0  }
0x12: {  	s1 =	sld [smem:$0x3F91];
	s0 =	simm.s32 @p0 $0x1  }
0x13: {  	[smem:$0x3FAC] =	sst s0;
	s0 =	simm.s32 @!p1 $0x0  }
0x14: {  	s2 =	sld [smem:$0x3F90];
	s0 =	simm.s32 @p1 $0x1  }
0x15: {  	[smem:$0x3FAD] =	sst s0;
	s0 =	simm.s32 @!p2 $0x0  }
0x16: {  	s3 =	sld [smem:$0x3FDB];
	s0 =	simm.s32 @p2 $0x1  }
0x17: {  	s4 =	simm.s32 $0x1BF5;
	[smem:$0x3FAF] =	sst s0  }
0x18: {  	s0 =	sld [smem:$0x3F92];
	_ =	swait.ge [sflag:s4], $0x0  }
0x19: {  	s7 =	sld [smem:$0x3F93]  }
0x1a: {  	s8 =	sadd.s32 $0xFFFFE003, lr  }
0x1b: {  	s9 =	sadd.s32 $0xFFFFFEF7, lr;
	s5 =	simm.s32 $0xFFFFFFFF;
	p2 =	slt.u32 s8, $0xFFFFF086  }
0x1c: {  	p1 =	slt.u32 s9, $0xF7A;
	s5 =	simm.s32 @!p2 $0x0  }
0x1d: {  	s5 =	simm.s32 @p1 $0x1;
	p0 =	seq.s32 s7, s2  }
0x1e: {  	s7 =	smul.u32 @!p0 $0xF7A, s2;
	p2 =	seq.s32 @!p0 s5, $0x0  }
0x1f: {  	s9 =	smul.u32 $0xF7A, s1;
	s8 =	simm.s32 @!p0 $0x1BF5;
	p2 =	por !p2, p0  }
0x20: {  	[sflag:s8] =	ssyncset.s32 @!p0 $0xFFFFF086;
	s6 =	sadd.s32 @!p0 s3, s7;
	s7 =	simm.s32 @!p0 $0x108  }
0x21: {  	s3 =	sadd.s32 s3, s9;
	s6 =	sadd.s32 @!p0 $0x88, s6;
	s7 =	simm.s32 @p2 $0x1082  }
0x22: {  	[simem:s7], [sflag:s8] =	dma.local @!p0 [hbm:s6], $0xF7A  }
0x23: {  	s9 =	sor.u32 $0xD0000000, s2;
	s6 =	simm.s32 $0x108;
	_ =	swait.ge @!p0 [sflag:s8], $0x0  }
0x24: {  	s3 =	sadd.s32 $0x88, s3;
	s6 =	simm.s32 @!p1 $0x1082;
	[sflag:s4] =	ssyncset.s32 $0xFFFFF086  }
0x25: {  	[simem:s6], [sflag:s4] =	dma.local [hbm:s3], $0xF7A  }
0x26: {  	[smem:$0x3F93] =	sst s1;
	(tag) =	ssettag s2;
	_ =	strace s9  }
0x27: {  	s1 =	sld [smem:$0x3FA3]  }
0x28: {  	s2 =	sld [smem:$0x3FA4]  }
0x29: {  	s4 =	sld [smem:$0x3FA6]  }
0x2a: {  	p0 =	seq.s32 s5, $0x0;
	s5 =	sld [smem:$0x3FA7]  }
0x2b: {  	s6 =	sld [smem:$0x3FA8]  }
0x2c: {  	s7 =	sld [smem:$0x3FA9]  }
0x2d: {  	s3 =	simm.s32 $0x108;
	s8 =	sld [smem:$0x3FAA]  }
0x2e: {  	s3 =	simm.s32 @!p0 $0x1082;
	s9 =	sld [smem:$0x3FAB]  }
0x2f: {  	lr =	sadd.s32 s0, s3;
	s0 =	sld [smem:$0x3FA2]  }
0x30: {  	s3 =	sld [smem:$0x3FA5]  }
0x31: {  	[smem:$0x3FAE] =	sst s10  }
0x32: {  	s10 =	sld [smem:$0x3FAC];
	_ =	sdelay $0x3  }
0x33: {  	p0 =	seq.s32 s10, $0x1;
	s10 =	sld [smem:$0x3FAE];
	_ =	sdelay $0x3  }
0x34: {  	[smem:$0x3FAE] =	sst s10  }
0x35: {  	s10 =	sld [smem:$0x3FAD];
	_ =	sdelay $0x3  }
0x36: {  	p1 =	seq.s32 s10, $0x1;
	s10 =	sld [smem:$0x3FAE];
	_ =	sdelay $0x3  }
0x37: {  	[smem:$0x3FAE] =	sst s10  }
0x38: {  	s10 =	sld [smem:$0x3FAF]  }
0x39: {  	_ = 	snop;
	(pc) =	sbr.ind lr, $3  }
0x3a: {  	_ = 	snop  }
0x3b: {  	_ = 	snop  }
0x3c: {  	p2 =	seq.s32 s10, $0x1;
	s10 =	sld [smem:$0x3FAE]  }
0x3d: {  	_ =	shalt  }
0x3e: {  	_ =	shalt  }
0x3f: {  	_ =	shalt  }
0x40: {  	_ =	shalt  }
0x41: {  	_ =	shalt  }
0x42: {  	_ =	shalt  }
0x43: {  	_ =	shalt  }
0x44: {  	_ =	shalt  }
0x45: {  	_ =	shalt  }
0x46: {  	_ =	shalt  }
0x47: {  	_ =	shalt  }
0x48: {  	_ =	shalt  }
0x49: {  	_ =	shalt  }
0x4a: {  	_ =	shalt  }
0x4b: {  	_ =	shalt  }
0x4c: {  	_ =	shalt  }
0x4d: {  	_ =	shalt  }
0x4e: {  	_ =	shalt  }
0x4f: {  	_ =	shalt  }
0x50: {  	_ =	shalt  }
0x51: {  	_ =	shalt  }
0x52: {  	_ =	shalt  }
0x53: {  	_ =	shalt  }
0x54: {  	_ =	shalt  }
0x55: {  	_ =	shalt  }
0x56: {  	_ =	shalt  }
0x57: {  	_ =	shalt  }
0x58: {  	_ =	shalt  }
0x59: {  	_ =	shalt  }
0x5a: {  	_ =	shalt  }
0x5b: {  	_ =	shalt  }
0x5c: {  	_ =	shalt  }
0x5d: {  	_ =	shalt  }
0x5e: {  	_ =	shalt  }
0x5f: {  	_ =	shalt  }
0x60: {  	_ =	shalt  }
0x61: {  	_ =	shalt  }
0x62: {  	_ =	shalt  }
0x63: {  	_ =	shalt  }
0x64: {  	_ =	shalt  }
0x65: {  	_ =	shalt  }
0x66: {  	_ =	shalt  }
0x67: {  	_ =	shalt  }
0x68: {  	_ =	shalt  }
0x69: {  	_ =	shalt  }
0x6a: {  	_ =	shalt  }
0x6b: {  	_ =	shalt  }
0x6c: {  	_ =	shalt  }
0x6d: {  	_ =	shalt  }
0x6e: {  	_ =	shalt  }
0x6f: {  	_ =	shalt  }
0x70: {  	_ =	shalt  }
0x71: {  	_ =	shalt  }
0x72: {  	_ =	shalt  }
0x73: {  	_ =	shalt  }
0x74: {  	_ =	shalt  }
0x75: {  	_ =	shalt  }
0x76: {  	_ =	shalt  }
0x77: {  	_ =	shalt  }
0x78: {  	_ =	shalt  }
0x79: {  	_ =	shalt  }
0x7a: {  	_ =	shalt  }
0x7b: {  	_ =	shalt  }
0x7c: {  	_ =	shalt  }
0x7d: {  	_ =	shalt  }
0x7e: {  	_ =	shalt  }
0x7f: {  	_ =	shalt  }
0x80: {  	_ =	shalt  }
0x81: {  	_ =	shalt  }
0x82: {  	_ =	shalt  }
0x83: {  	_ =	shalt  }
0x84: {  	_ =	shalt  }
0x85: {  	_ =	shalt  }
0x86: {  	_ =	shalt  }
0x87: {  	_ =	shalt  }
.Lfunc_end0:
.L_simem_size_0:
called_computation_lowered:
.L_overlay_start_0:
0x88: {  	s2 =	sld [smem:$0x3FD9]  }
0x89: {  	s3 =	sld [smem:$0x3FFE];
	_ =	sdelay $0x1  }
0x8a: {  	s1 =	srdreg.scid  }
0x8b: {  	s0 =	sand.u32 $0x1, s1  }
0x8c: {  	s17 =	sshll.u32 s0, $0xA;
	s2 =	sadd.s32 s3, s2  }
0x8d: {  	s2 =	sadd.s32 s2, s17  }
0x8e: {  	[smem:$0x3FBA] =	sst s2  }
0x8f: {  	_ = 	snop  }
0x90: {  	s2 =	sld [smem:$0x3FC9]  }
0x91: {  	s18 =	sld [smem:$0x3FC8];
	(tm) =	ssettm $0x1  }
0x92: {  	s4 =	sld [smem:$0x3FFB];
	_ =	sdelay $0x3  }
0x93: {  	_ =	strace s4  }
0x94: {  	s4 =	sld [smem:$0x3FFC];
	_ =	sdelay $0x3  }
0x95: {  	_ =	strace s4  }
0x96: {  	s4 =	sld [smem:$0x3FFD];
	_ =	sdelay $0x3  }
0x97: {  	_ =	strace s4  }
0x98: {  	_ =	strace $0x8FFFFFFF  }
0x99: {  	s19 =	sld [smem:$0x3FDB];
	_ =	sdelay $0x1  }
0x9a: {  	s5 =	simm.s32 $_scs_section_size  }
0x9b: {  	s6 =	simm.s32 $_size__tile_overlayer_lowered;
	s7 =	simm.s32 $_tile_overlayer_lowered  }
0x9c: {  	s22 =	simm.s32 $0x1BFF;
	s21 =	sshll.u32 s7, $0x1;
	s4 =	sadd.s32 s5, s19  }
0x9d: {  	s8 =	simm.s32 $0x0;
	s20 =	sshll.u32 s6, $0x1;
	s6 =	sadd.s32 s21, s4  }
0x9e: {  	[timem:s8], [sflag:s22] =	dma.local [hbm:s6], s20  }
0x9f: {  	_ =	swait.ge [sflag:s22], s20  }
0xa0: {  	s5 =	ssub.s32 $0x0, s20;
	[sflag:s22] =	ssyncset.done $0x0  }
0xa1: {  	[sflag:s22] =	ssyncadd.s32 s5;
	_ =	sdelay $0x1  }
0xa2: {  	s23 =	simm.s32 $0x1B8B  }
0xa3: {  	_ =	swait.ge [sflag:s23], $0x1  }
0xa4: {  	[sflag:s23] =	ssyncset.done $0x0  }
0xa5: {  	s25 =	simm.s32 $0x1B8E;
	s24 =	sld [smem:$0x3FFE];
	[sflag:s23] =	ssyncadd.s32 $0xFFFFFFFF  }
0xa6: {  	s26 =	simm.s32 $execute0_lowered;
	[smem:$0x3FD2] =	sst s25  }
0xa7: {  	s6 =	sshll.u32 s26, $0x1;
	_ =	strace $0x80000046;
	[dreg:$0x1] =	wrdreg $0xFFFFFFFF  }
0xa8: {  	s28 =	simm.s32 $_size_execute0_lowered;
	s4 =	sadd.s32 s4, s6;
	[dreg:$0x0] =	wrdreg $0x0  }
0xa9: {  	s6 =	sshll.u32 s28, $0x1;
	[dreg:$0x2] =	wrdreg s4  }
0xaa: {  	[dreg:$0x3] =	wrdreg s6  }
0xab: {  	[dreg:$0x4] =	wrdreg $0xC0  }
0xac: {  	_ =	task [dreg:s8], $0x5FFFF  }
0xad: {  	[dreg:$0x1] =	wrdreg $0xFFFFFFFF  }
0xae: {  	[dreg:$0x0] =	wrdreg $0x60  }
0xaf: {  	[dreg:$0x2] =	wrdreg s2  }
0xb0: {  	[dreg:$0x3] =	wrdreg s18  }
0xb1: {  	[dreg:$0x4] =	wrdreg s24  }
0xb2: {  	[dreg:$0x5] =	wrdreg $0x9  }
0xb3: {  	_ =	task.clear_ibuf [dreg:s8], $0x6FFFF;
	_ =	strace $0x90000046  }
0xb4: {  	s29 =	simm.s32 $0x9;
	_ =	strace $0x80000048  }
0xb5: {  	_ =	swait.ge [sflag:s29], $0x1  }
0xb6: {  	[sflag:s29] =	ssyncadd.s32 $0xFFFFFFFF  }
0xb7: {  	_ =	strace $0x90000048  }
0xb8: {  	_ =	sfence  }
0xb9: {  	s30 =	sld [smem:$0x0];
	_ =	sdelay $0x2  }
0xba: {  	s31 =	sshll.u32 s1, $0xD;
	s1 =	sshrl.u32 s1, $0x2  }
0xbb: {  	s3 =	sand.u32 $0x4000, s31;
	s1 =	sadd.s32 s1, s30  }
0xbc: {  	s0 =	sor.u32 s3, s0;
	s1 =	sshll.u32 s1, $0x11  }
0xbd: {  	s0 =	sor.u32 s1, s0  }
0xbe: {  	s0 =	sadd.s32 $0x8F2B, s0  }
0xbf: {  	[sflag:s0] =	ssyncadd.remote.s32 $0x1  }
0xc0: {  	_ =	sfence.sel $0xFFFF  }
0xc1: {  	[dreg:$0x0] =	wrdreg $0xFFFFFFFF;
	(pc) =	sbr.abs _section_cstart, $3  }
0xc2: {  	[dreg:$0x1] =	wrdreg $0xFFFFFFFF  }
0xc3: {  	_ =	task.clear_ibuf [dreg:s8], $0x2FFFF;
	_ =	strace $0x9FFFFFFF  }
0xc4: {  	(tm) =	ssettm $0x7FFFFFFF  }
0xc5: {  	_ =	shalt  }
tec
execute0_lowered:
.L_overlay_start_1:
0x0: {  	(tag) =	ssettag $0x1  }
0x1: {  	s5 =	rddreg [dreg:$0x0]  }
0x2: {  	s6 =	rddreg [dreg:$0x1]  }
0x3: {  	s7 =	rddreg [dreg:$0x2]  }
0x4: {  	s0 =	rddreg [dreg:$0x3];
	s1 =	simm.s32 $0x0;
	s8 =	srdreg.scid  }
0x5: {  	s2 =	stileid.u32;
	s14 =	simm.s32 $0x1;
	s15 =	simm.s32 $0x500  }
0x6: {  	s16 =	simm.s32 $0x8500;
	s17 =	simm.s32 $0x0;
	[smem:$0x7FF] =	sst s1  }
0x7: {  	s3 =	sadd.s32 $0x2000, s7;
	s4 =	sadd.s32 $0xF44400, s7;
	s8 =	sand.u32 $0x1, s8  }
0x8: {  	s10 =	sshll.u32 s2, $0xA;
	s9 =	ssub.s32 $0x2, s8;
	s8 =	sshll.u32 s8, $0x9  }
0x9: {  	s11 =	sadd.s32 $0x10CAE00, s7;
	s29 =	sadd.s32 $0x110AE00, s7;
	s8 =	sor.u32 s8, s10  }
0xa: {  	_ =	strace $0x80000047;
	s12 =	sshrl.u32 s9, $0x1;
	s30 =	sshrl.u32 s8, $0x3  }
0xb: {  	s12 =	ssub.s32 s9, s12;
	s31 =	sshll.u32 s8, $0x4;
	s5 =	sadd.s32 s5, s30  }
0xc: {  	s6 =	sadd.s32 s6, s30;
	s7 =	sadd.s32 s11, s31;
	s13 =	sor.u32 $0x1000, s31  }
0xd: {  	s8 =	sadd.s32 s29, s31;
	s9 =	sadd.s32 s11, s13;
	s10 =	sadd.s32 s29, s13  }
0xe: {  	s11 =	smax.u32 s12, $0x1;
	s12 =	simm.s32 $0x2;
	s13 =	simm.s32 $0x280  }
.LBB2_1:
0xf: {  	[tilespmem:s1], [sflag:$0x2] =	stream.linear.gather [hbm4b:s5+s1], $0x200, $0x38;
	[tilespmem:$0x10500] =	vst v63  }
0x10: {  	_ =	swait.ge [sflag:s12], $0x200  }
0x11: {  	[sflag:s12] =	ssyncset.done $0x0  }
0x12: {  	[sflag:s12] =	ssyncadd.s32 $0xFFFFFE00  }
0x13: {  	[tilespmem:s13], [sflag:$0x2] =	stream.linear.gather [hbm4b:s6+s1], $0x200, $0x38;
	[tilespmem:$0x10500] =	vst v63  }
0x14: {  	_ =	swait.ge [sflag:s12], $0x200  }
0x15: {  	[sflag:s12] =	ssyncset.done $0x0  }
0x16: {  	s18 =	simm.s32 $0x0;
	[sflag:s12] =	ssyncadd.s32 $0xFFFFFE00  }
0x17: {  	v0 =	vld [tilespmem:s18+$0x0]  }
0x18: {  	v1 =	vld [tilespmem:s18+$0x280];
	_ =	sdelay $0x3  }
0x19: {  	(v2sf) =	vpush v0, $0x0  }
0x1a: {  	(v2sf) =	vpush v1, $0x0;
	_ =	sdelay $0xd  }
0x1b: {  	s30 =	spop (v2sf)  }
0x1c: {  	s18 =	sshll.u32 s30, $0x4;
	s19 =	spop (v2sf)  }
0x1d: {  	s18 =	sand.u32 $0x1FFFFFF0, s18;
	s19 =	sshll.u32 s19, $0x4  }
0x1e: {  	s18 =	sadd.s32 s3, s18;
	s19 =	sand.u32 $0x1FFFFFF0, s19  }
0x1f: {  	[tilespmem:s15], [sflag:$0x1] =	stream.linear.gather [hbm4b:s18+s1], $0x80, $0x38;
	[tilespmem:$0x10500] =	vst v63  }
0x20: {  	s21 =	simm.s32 $0x1;
	s31 =	sadd.s32 s4, s19  }
0x21: {  	[tilespmem:s16], [sflag:$0x1] =	stream.linear.gather [hbm4b:s31+s1], $0x80, $0x38;
	[tilespmem:$0x10500] =	vst v63  }
0x22: {  	s20 =	simm.s32 $0x8;
	s19 =	simm.s32 $0x500;
	s18 =	simm.s32 $0x8500;
	v0 =	vld [tilespmem:s21+$0x0]  }
.LBB2_2:
0x23: {  	p0 =	sne.s32 s20, $0x3FC;
	v1 =	vld [tilespmem:s21+$0x280];
	_ =	sdelay $0x3  }
0x24: {  	(v2sf) =	vpush v0, $0x0  }
0x25: {  	(v2sf) =	vpush v1, $0x0;
	_ =	sdelay $0xd  }
0x26: {  	s21 =	spop (v2sf)  }
0x27: {  	s21 =	sshll.u32 s21, $0x4;
	s22 =	spop (v2sf)  }
0x28: {  	s19 =	sadd.s32 $0x80, s19;
	s21 =	sand.u32 $0x1FFFFFF0, s21;
	s22 =	sshll.u32 s22, $0x4  }
.Ltmp0:
0x29: {  	s21 =	sadd.s32 s3, s21;
	s22 =	sand.u32 $0x1FFFFFF0, s22;
	(pc) =	sbr.rel @p0 .LBB2_2-.Ltmp0, $4  }
0x2a: {  	[tilespmem:s19], [sflag:$0x1] =	stream.linear.gather [hbm4b:s21+s1], $0x80, $0x38;
	[tilespmem:$0x10500] =	vst v63  }
0x2b: {  	s18 =	sadd.s32 $0x80, s18;
	s21 =	sshra.s32 s20, $0x2;
	s22 =	sadd.s32 s4, s22  }
0x2c: {  	[tilespmem:s18], [sflag:$0x1] =	stream.linear.gather [hbm4b:s22+s1], $0x80, $0x38;
	[tilespmem:$0x10500] =	vst v63  }
0x2d: {  	s20 =	sadd.s32 $0x4, s20;
	v0 =	vld [tilespmem:s21+$0x0]  }
0x2e: {  	v1 =	vld [tilespmem:s21+$0x280];
	_ =	sdelay $0x3  }
0x2f: {  	(v2sf) =	vpush v0, $0x0  }
0x30: {  	(v2sf) =	vpush v1, $0x0;
	_ =	sdelay $0xd  }
0x31: {  	s20 =	spop (v2sf)  }
0x32: {  	s20 =	sshll.u32 s20, $0x4;
	s24 =	spop (v2sf)  }
0x33: {  	s20 =	sand.u32 $0x1FFFFFF0, s20;
	s21 =	sshll.u32 s24, $0x4  }
0x34: {  	s19 =	sadd.s32 $0x80, s19;
	s20 =	sadd.s32 s3, s20;
	s21 =	sand.u32 $0x1FFFFFF0, s21  }
0x35: {  	[tilespmem:s19], [sflag:$0x1] =	stream.linear.gather [hbm4b:s20+s1], $0x80, $0x38;
	[tilespmem:$0x10500] =	vst v63  }
0x36: {  	s18 =	sadd.s32 $0x80, s18;
	s25 =	sadd.s32 s4, s21  }
0x37: {  	[tilespmem:s18], [sflag:$0x1] =	stream.linear.gather [hbm4b:s25+s1], $0x80, $0x38;
	[tilespmem:$0x10500] =	vst v63  }
0x38: {  	_ =	swait.ge [sflag:s14], $0x8000  }
0x39: {  	[sflag:s14] =	ssyncset.done $0x0  }
0x3a: {  	[sflag:s14] =	ssyncadd.s32 $0xFFFF8000  }
0x3b: {  	_ =	swait.ge [sflag:s14], $0x8000  }
0x3c: {  	[sflag:s14] =	ssyncset.done $0x0  }
0x3d: {  	s26 =	simm.s32 $0x0;
	s18 =	simm.s32 $0x500;
	[sflag:s14] =	ssyncadd.s32 $0xFFFF8000  }
0x3e: {  	[hbm4b:s7+s26] =	stream.linear.scatter [tilespmem:s18], [sflag:$0x2], $0x8000, $0x38;
	[tilespmem:$0x10500] =	vst v63  }
0x3f: {  	_ =	swait.ge [sflag:s12], $0x8000  }
0x40: {  	[sflag:s12] =	ssyncset.done $0x0  }
0x41: {  	s19 =	simm.s32 $0x8500;
	[sflag:s12] =	ssyncadd.s32 $0xFFFF8000  }
0x42: {  	[hbm4b:s8+s26] =	stream.linear.scatter [tilespmem:s19], [sflag:$0x2], $0x8000, $0x38;
	[tilespmem:$0x10500] =	vst v63  }
0x43: {  	_ =	swait.ge [sflag:s12], $0x8000  }
0x44: {  	[sflag:s12] =	ssyncset.done $0x0  }
0x45: {  	s28 =	simm.s32 $0x0;
	[sflag:s12] =	ssyncadd.s32 $0xFFFF8000  }
0x46: {  	v0 =	vld [tilespmem:s28+$0x100]  }
0x47: {  	v1 =	vld [tilespmem:s28+$0x380];
	_ =	sdelay $0x3  }
0x48: {  	(v2sf) =	vpush v0, $0x0  }
0x49: {  	(v2sf) =	vpush v1, $0x0;
	_ =	sdelay $0xd  }
0x4a: {  	s29 =	spop (v2sf)  }
0x4b: {  	s20 =	sshll.u32 s29, $0x4;
	s30 =	spop (v2sf)  }
0x4c: {  	s20 =	sand.u32 $0x1FFFFFF0, s20;
	s21 =	sshll.u32 s30, $0x4  }
0x4d: {  	s20 =	sadd.s32 s3, s20;
	s21 =	sand.u32 $0x1FFFFFF0, s21  }
0x4e: {  	[tilespmem:s18], [sflag:$0x1] =	stream.linear.gather [hbm4b:s20+s1], $0x80, $0x38;
	[tilespmem:$0x10500] =	vst v63  }
0x4f: {  	s31 =	sadd.s32 s4, s21;
	s21 =	simm.s32 $0x1  }
0x50: {  	[tilespmem:s19], [sflag:$0x1] =	stream.linear.gather [hbm4b:s31+s1], $0x80, $0x38;
	[tilespmem:$0x10500] =	vst v63  }
0x51: {  	s20 =	simm.s32 $0x8;
	v0 =	vld [tilespmem:s21+$0x100]  }
.LBB2_4:
0x52: {  	p0 =	sne.s32 s20, $0x3FC;
	v1 =	vld [tilespmem:s21+$0x380];
	_ =	sdelay $0x3  }
0x53: {  	(v2sf) =	vpush v0, $0x0  }
0x54: {  	(v2sf) =	vpush v1, $0x0;
	_ =	sdelay $0xd  }
0x55: {  	s21 =	spop (v2sf)  }
0x56: {  	s21 =	sshll.u32 s21, $0x4;
	s22 =	spop (v2sf)  }
0x57: {  	s18 =	sadd.s32 $0x80, s18;
	s21 =	sand.u32 $0x1FFFFFF0, s21;
	s22 =	sshll.u32 s22, $0x4  }
.Ltmp1:
0x58: {  	s21 =	sadd.s32 s3, s21;
	s22 =	sand.u32 $0x1FFFFFF0, s22;
	(pc) =	sbr.rel @p0 .LBB2_4-.Ltmp1, $4  }
0x59: {  	[tilespmem:s18], [sflag:$0x1] =	stream.linear.gather [hbm4b:s21+s1], $0x80, $0x38;
	[tilespmem:$0x10500] =	vst v63  }
0x5a: {  	s19 =	sadd.s32 $0x80, s19;
	s21 =	sshra.s32 s20, $0x2;
	s22 =	sadd.s32 s4, s22  }
0x5b: {  	[tilespmem:s19], [sflag:$0x1] =	stream.linear.gather [hbm4b:s22+s1], $0x80, $0x38;
	[tilespmem:$0x10500] =	vst v63  }
0x5c: {  	s20 =	sadd.s32 $0x4, s20;
	v0 =	vld [tilespmem:s21+$0x100]  }
0x5d: {  	v1 =	vld [tilespmem:s21+$0x380];
	_ =	sdelay $0x3  }
0x5e: {  	(v2sf) =	vpush v0, $0x0  }
0x5f: {  	(v2sf) =	vpush v1, $0x0;
	_ =	sdelay $0xd  }
0x60: {  	s20 =	spop (v2sf)  }
0x61: {  	s20 =	sshll.u32 s20, $0x4;
	s30 =	spop (v2sf)  }
0x62: {  	s20 =	sand.u32 $0x1FFFFFF0, s20;
	s21 =	sshll.u32 s30, $0x4  }
0x63: {  	s18 =	sadd.s32 $0x80, s18;
	s20 =	sadd.s32 s3, s20;
	s21 =	sand.u32 $0x1FFFFFF0, s21  }
0x64: {  	[tilespmem:s18], [sflag:$0x1] =	stream.linear.gather [hbm4b:s20+s1], $0x80, $0x38;
	[tilespmem:$0x10500] =	vst v63  }
0x65: {  	s19 =	sadd.s32 $0x80, s19;
	s31 =	sadd.s32 s4, s21  }
0x66: {  	[tilespmem:s19], [sflag:$0x1] =	stream.linear.gather [hbm4b:s31+s1], $0x80, $0x38;
	[tilespmem:$0x10500] =	vst v63  }
0x67: {  	_ =	swait.ge [sflag:s14], $0x8000  }
0x68: {  	[sflag:s14] =	ssyncset.done $0x0  }
0x69: {  	[sflag:s14] =	ssyncadd.s32 $0xFFFF8000  }
0x6a: {  	_ =	swait.ge [sflag:s14], $0x8000  }
0x6b: {  	[sflag:s14] =	ssyncset.done $0x0  }
0x6c: {  	[sflag:s14] =	ssyncadd.s32 $0xFFFF8000  }
0x6d: {  	[hbm4b:s9+s1] =	stream.linear.scatter [tilespmem:s15], [sflag:$0x2], $0x8000, $0x38;
	[tilespmem:$0x10500] =	vst v63  }
0x6e: {  	s17 =	sadd.s32 $0x1, s17;
	_ =	swait.ge [sflag:s12], $0x8000  }
0x6f: {  	p0 =	sne.s32 s17, s11;
	[sflag:s12] =	ssyncset.done $0x0  }
.Ltmp2:
0x70: {  	[sflag:s12] =	ssyncadd.s32 $0xFFFF8000;
	(pc) =	sbr.rel @p0 .LBB2_1-.Ltmp2, $4  }
0x71: {  	[hbm4b:s10+s1] =	stream.linear.scatter [tilespmem:s16], [sflag:$0x2], $0x8000, $0x38;
	[tilespmem:$0x10500] =	vst v63  }
0x72: {  	_ =	swait.ge [sflag:s12], $0x8000  }
0x73: {  	[sflag:s12] =	ssyncset.done $0x0  }
0x74: {  	[sflag:s12] =	ssyncadd.s32 $0xFFFF8000  }
0x75: {  	_ =	sfence.sel $0x180000  }
0x76: {  	[bflag:$0x0] =	sbarrier.arrive $0xFFFF  }
0x77: {  	p0 =	sne.s32 s2, $0x0;
	_ =	strace $0x90000047  }
0x78: {  	s0 =	sadd.s32 @!p0 $0x100000, s0;
	[bflag:$0x2] =	sbarrier.arrive $0xFFFF  }
0x79: {  	[sflag:s0] =	ssyncadd.tile.s32 @!p0 $0x1;
	_ =	shalt  }
.Lfunc_end2:
_tile_overlayer_lowered:
.L_overlay_start_2:
0x7a: {  	(tag) =	ssettag $0x2  }
0x7b: {  	s0 =	rddreg [dreg:$0x0];
	s2 =	stileid.u32  }
0x7c: {  	s1 =	rddreg [dreg:$0x1];
	p0 =	sne.s32 s2, $0x0  }
0x7d: {  	s3 =	rddreg [dreg:$0x2];
	[bflag:$0x3] =	sbarrier.arrive $0xFFFF;
	s2 =	simm.s32 @!p0 $0x1C02  }
0x7e: {  	[timem:s3], [sflag:s2] =	dma.local @!p0 [hbm:s0], s1  }
0x7f: {  	s0 =	simm.s32 @!p0 $0x2  }
0x80: {  	_ =	swait.ge @!p0 [sflag:s0], s1  }
0x81: {  	s1 =	ssub.s32 @!p0 $0x0, s1;
	[sflag:s0] =	ssyncset.done @!p0 $0x0  }
0x82: {  	[sflag:s0] =	ssyncadd.s32 @!p0 s1  }
0x83: {  	[bflag:$0x3] =	sbarrier.arrive $0xFFFF  }
0x84: {  	_ =	shalt  }

</sc_bundles>
